<compile_context>
chip_gen: v7x
topology: tpu7x:2x2x1
jax: 0.10.2.dev20260603
libtpu: 0.0.44.dev20260713+nightly
codegen_flags: <defaults>
</compile_context>

<pallas_src>
import functools

import jax
import jax.numpy as jnp
from jax import lax
from jax.experimental import pallas as pl
from jax.experimental.pallas import tpu as pltpu
from jax.experimental.pallas import tpu_sc as plsc

_T = 4096
_D = 1024
_NC = 2
_NS = 16
_NW = _NC * _NS
_RPW = _T // _NW
_HALF = _RPW // 2
_CH = 32
_NBUF = 2
_NCH = _HALF // _CH


def _make_sc_copy():
    mesh = plsc.VectorSubcoreMesh(core_axis_name="c", subcore_axis_name="s")

    @functools.partial(
        pl.kernel,
        mesh=mesh,
        out_type=jax.ShapeDtypeStruct((_T, _D), jnp.float32),
        scratch_types=[
            pltpu.VMEM((_NBUF, _CH, _D), jnp.float32),
            pltpu.VMEM_SHARED((_NS, _NBUF, _CH, _D), jnp.float32),
            *([pltpu.SemaphoreType.DMA] * (4 * _NBUF)),
        ],
    )
    def sc_copy(table_hbm, out_hbm, tbuf, sbuf, *sems):
        t_in = sems[0:_NBUF]
        t_out = sems[_NBUF : 2 * _NBUF]
        s_in = sems[2 * _NBUF : 3 * _NBUF]
        s_out = sems[3 * _NBUF : 4 * _NBUF]
        wid = lax.axis_index("s") * _NC + lax.axis_index("c")
        sid = lax.axis_index("s")
        base_t = wid * _RPW
        base_s = base_t + _HALF

        def t_fire_in(k):
            b = k % _NBUF
            return pltpu.async_copy(
                table_hbm.at[pl.ds(base_t + k * _CH, _CH)], tbuf.at[b], t_in[b]
            )

        def t_fire_out(k):
            b = k % _NBUF
            return pltpu.async_copy(
                tbuf.at[b], out_hbm.at[pl.ds(base_t + k * _CH, _CH)], t_out[b]
            )

        def s_fire_in(k):
            b = k % _NBUF
            return pltpu.async_copy(
                table_hbm.at[pl.ds(base_s + k * _CH, _CH)], sbuf.at[sid, b], s_in[b]
            )

        def s_fire_out(k):
            b = k % _NBUF
            return pltpu.async_copy(
                sbuf.at[sid, b], out_hbm.at[pl.ds(base_s + k * _CH, _CH)], s_out[b]
            )

        t_icp = [None] * _NCH
        t_ocp = [None] * _NCH
        s_icp = [None] * _NCH
        s_ocp = [None] * _NCH
        for j in range(min(_NBUF, _NCH)):
            t_icp[j] = t_fire_in(j)
            s_icp[j] = s_fire_in(j)
        for k in range(_NCH):
            if k >= _NBUF:
                t_ocp[k - _NBUF].wait()
                t_icp[k] = t_fire_in(k)
                s_ocp[k - _NBUF].wait()
                s_icp[k] = s_fire_in(k)
            t_icp[k].wait()
            t_ocp[k] = t_fire_out(k)
            s_icp[k].wait()
            s_ocp[k] = s_fire_out(k)
        for k in range(max(0, _NCH - _NBUF), _NCH):
            t_ocp[k].wait()
            s_ocp[k].wait()

    return sc_copy


_sc_copy = _make_sc_copy()


def kernel(x, pe_table):
    del x
    out = _sc_copy(pe_table)
    return out[None]

# --- scband reference (transcript-rebuilt; emitter-appended) ---
"""Pipeline reference for scband-learned-positional-encoding-26774826123951 (READ-ONLY COPY).

The authoritative reference and input builder live on the scoring server;
editing this copy changes nothing except your own understanding.
"""

import jax, jax.numpy as jnp
import numpy as np

D_MODEL = 1024
MAX_LEN = 8192
BATCH = 2
SEQ_LEN = 4096


def setup_inputs(seed: int = 0) -> dict:
    key = jax.random.key(seed)
    kx, kpe = jax.random.split(key)
    x = jax.random.normal(kx, (BATCH, SEQ_LEN, D_MODEL), dtype=jnp.float32)
    # learned positional embedding table (nn.Embedding(max_len, d_model))
    pe_table = jax.random.normal(kpe, (MAX_LEN, D_MODEL), dtype=jnp.float32)
    return {"x": x, "pe_table": pe_table}


def reference(x, pe_table):
    T = x.shape[1]
    positions = jnp.arange(T)[None, :]  # [1, T]
    pos_emb = jnp.take(pe_table, positions, axis=0)  # [1, T, d_model]
    return pos_emb

if __name__ == "__main__":
    import jax
    _d = setup_inputs()
    print(jax.jit(kernel)(*tuple(_d.values())))

</pallas_src>

<mosaic_0001>
#map = affine_map<(d0, d1) -> (0, 0)>
module attributes {stable_mosaic.version = 14 : i64} {
  func.func @sc_copy(%arg0: i32, %arg1: i32, %arg2: memref<8192x1024xf32, #tpu.memory_space<hbm>>, %arg3: memref<4096x1024xf32, #tpu.memory_space<hbm>>, %arg4: memref<2x32x1024xf32, #tpu.memory_space<vmem>>, %arg5: memref<16x2x32x1024xf32, #tpu.memory_space<vmem_shared>>, %arg6: memref<!tpu.dma_semaphore, #tpu.memory_space<semaphore_mem>>, %arg7: memref<!tpu.dma_semaphore, #tpu.memory_space<semaphore_mem>>, %arg8: memref<!tpu.dma_semaphore, #tpu.memory_space<semaphore_mem>>, %arg9: memref<!tpu.dma_semaphore, #tpu.memory_space<semaphore_mem>>, %arg10: memref<!tpu.dma_semaphore, #tpu.memory_space<semaphore_mem>>, %arg11: memref<!tpu.dma_semaphore, #tpu.memory_space<semaphore_mem>>, %arg12: memref<!tpu.dma_semaphore, #tpu.memory_space<semaphore_mem>>, %arg13: memref<!tpu.dma_semaphore, #tpu.memory_space<semaphore_mem>>) attributes {dimension_semantics = [#tpu.dimension_semantics<core_parallel>, #tpu.dimension_semantics<subcore_parallel>], iteration_bounds = array<i64: 2, 16>, scalar_prefetch = 0 : i64, scratch_operands = 10 : i64, tpu.core_type = #tpu.core_type<sc_vector_subcore>, window_params = [{transform_indices = #map}, {transform_indices = #map}]} {
    %mul3A = arith.constant 2 : i32
    %mul3A_0 = arith.muli %arg1, %mul3A : i32
    %add3A = arith.addi %mul3A_0, %arg0 : i32
    %mul3A_1 = arith.constant 128 : i32
    %mul3A_2 = arith.muli %add3A, %mul3A_1 : i32
    %add3A_3 = arith.constant 64 : i32
    %add3A_4 = arith.addi %mul3A_2, %add3A_3 : i32
    %add3A_5 = arith.constant 0 : i32
    %add3A_6 = arith.addi %mul3A_2, %add3A_5 : i32
    %dma_start3A = arith.constant 0 : i32
    %dma_start3A_7 = arith.constant 0 : i32
    %dma_start3A_8 = arith.constant 0 : i32
    %dma_start3A_9 = tpu.memref_slice %arg4[%dma_start3A, %dma_start3A_7, %dma_start3A_8] : memref<2x32x1024xf32, #tpu.memory_space<vmem>> -> memref<1x32x1024xf32, #tpu.memory_space<vmem>>
    %dma_start3A_10 = tpu.memref_squeeze %dma_start3A_9 : memref<1x32x1024xf32, #tpu.memory_space<vmem>> -> memref<32x1024xf32, #tpu.memory_space<vmem>>
    %dma_start3A_11 = arith.constant 0 : i32
    %dma_start3A_12 = tpu.memref_slice %arg2[%add3A_6, %dma_start3A_11] : memref<8192x1024xf32, #tpu.memory_space<hbm>> -> memref<32x1024xf32, #tpu.memory_space<hbm>>
    %dma_start3A_13 = arith.constant 0 : i32
    %dma_start3A_14 = arith.constant 0 : i32
    %dma_start3A_15 = tpu.memref_slice %arg4[%dma_start3A, %dma_start3A_13, %dma_start3A_14] : memref<2x32x1024xf32, #tpu.memory_space<vmem>> -> memref<1x32x1024xf32, #tpu.memory_space<vmem>>
    %dma_start3A_16 = tpu.memref_squeeze %dma_start3A_15 : memref<1x32x1024xf32, #tpu.memory_space<vmem>> -> memref<32x1024xf32, #tpu.memory_space<vmem>>
    %dma_start3A_17 = arith.constant 0 : i32
    %dma_start3A_18 = tpu.memref_slice %arg2[%add3A_6, %dma_start3A_17] : memref<8192x1024xf32, #tpu.memory_space<hbm>> -> memref<32x1024xf32, #tpu.memory_space<hbm>>
    tpu.enqueue_dma source(%dma_start3A_18 : memref<32x1024xf32, #tpu.memory_space<hbm>>) target(%dma_start3A_16 : memref<32x1024xf32, #tpu.memory_space<vmem>>) target_semaphore(%arg6 : memref<!tpu.dma_semaphore, #tpu.memory_space<semaphore_mem>>)
    %add3A_19 = arith.constant 0 : i32
    %add3A_20 = arith.addi %add3A_4, %add3A_19 : i32
    %dma_start3A_21 = arith.constant 0 : i32
    %dma_start3A_22 = arith.constant 0 : i32
    %dma_start3A_23 = arith.constant 0 : i32
    %dma_start3A_24 = tpu.memref_slice %arg5[%arg1, %dma_start3A_21, %dma_start3A_22, %dma_start3A_23] : memref<16x2x32x1024xf32, #tpu.memory_space<vmem_shared>> -> memref<1x1x32x1024xf32, #tpu.memory_space<vmem_shared>>
    %dma_start3A_25 = tpu.memref_squeeze %dma_start3A_24 : memref<1x1x32x1024xf32, #tpu.memory_space<vmem_shared>> -> memref<32x1024xf32, #tpu.memory_space<vmem_shared>>
    %dma_start3A_26 = arith.constant 0 : i32
    %dma_start3A_27 = tpu.memref_slice %arg2[%add3A_20, %dma_start3A_26] : memref<8192x1024xf32, #tpu.memory_space<hbm>> -> memref<32x1024xf32, #tpu.memory_space<hbm>>
    tpu.enqueue_dma source(%dma_start3A_27 : memref<32x1024xf32, #tpu.memory_space<hbm>>) target(%dma_start3A_25 : memref<32x1024xf32, #tpu.memory_space<vmem_shared>>) target_semaphore(%arg10 : memref<!tpu.dma_semaphore, #tpu.memory_space<semaphore_mem>>)
    %add3A_28 = arith.constant 32 : i32
    %add3A_29 = arith.addi %mul3A_2, %add3A_28 : i32
    %dma_start3A_30 = arith.constant 1 : i32
    %dma_start3A_31 = arith.constant 0 : i32
    %dma_start3A_32 = arith.constant 0 : i32
    %dma_start3A_33 = tpu.memref_slice %arg4[%dma_start3A_30, %dma_start3A_31, %dma_start3A_32] : memref<2x32x1024xf32, #tpu.memory_space<vmem>> -> memref<1x32x1024xf32, #tpu.memory_space<vmem>>
    %dma_start3A_34 = tpu.memref_squeeze %dma_start3A_33 : memref<1x32x1024xf32, #tpu.memory_space<vmem>> -> memref<32x1024xf32, #tpu.memory_space<vmem>>
    %dma_start3A_35 = arith.constant 0 : i32
    %dma_start3A_36 = tpu.memref_slice %arg2[%add3A_29, %dma_start3A_35] : memref<8192x1024xf32, #tpu.memory_space<hbm>> -> memref<32x1024xf32, #tpu.memory_space<hbm>>
    %dma_start3A_37 = arith.constant 0 : i32
    %dma_start3A_38 = arith.constant 0 : i32
    %dma_start3A_39 = tpu.memref_slice %arg4[%dma_start3A_30, %dma_start3A_37, %dma_start3A_38] : memref<2x32x1024xf32, #tpu.memory_space<vmem>> -> memref<1x32x1024xf32, #tpu.memory_space<vmem>>
    %dma_start3A_40 = tpu.memref_squeeze %dma_start3A_39 : memref<1x32x1024xf32, #tpu.memory_space<vmem>> -> memref<32x1024xf32, #tpu.memory_space<vmem>>
    %dma_start3A_41 = arith.constant 0 : i32
    %dma_start3A_42 = tpu.memref_slice %arg2[%add3A_29, %dma_start3A_41] : memref<8192x1024xf32, #tpu.memory_space<hbm>> -> memref<32x1024xf32, #tpu.memory_space<hbm>>
    tpu.enqueue_dma source(%dma_start3A_42 : memref<32x1024xf32, #tpu.memory_space<hbm>>) target(%dma_start3A_40 : memref<32x1024xf32, #tpu.memory_space<vmem>>) target_semaphore(%arg7 : memref<!tpu.dma_semaphore, #tpu.memory_space<semaphore_mem>>)
    %add3A_43 = arith.constant 32 : i32
    %add3A_44 = arith.addi %add3A_4, %add3A_43 : i32
    %dma_start3A_45 = arith.constant 1 : i32
    %dma_start3A_46 = arith.constant 0 : i32
    %dma_start3A_47 = arith.constant 0 : i32
    %dma_start3A_48 = tpu.memref_slice %arg5[%arg1, %dma_start3A_45, %dma_start3A_46, %dma_start3A_47] : memref<16x2x32x1024xf32, #tpu.memory_space<vmem_shared>> -> memref<1x1x32x1024xf32, #tpu.memory_space<vmem_shared>>
    %dma_start3A_49 = tpu.memref_squeeze %dma_start3A_48 : memref<1x1x32x1024xf32, #tpu.memory_space<vmem_shared>> -> memref<32x1024xf32, #tpu.memory_space<vmem_shared>>
    %dma_start3A_50 = arith.constant 0 : i32
    %dma_start3A_51 = tpu.memref_slice %arg2[%add3A_44, %dma_start3A_50] : memref<8192x1024xf32, #tpu.memory_space<hbm>> -> memref<32x1024xf32, #tpu.memory_space<hbm>>
    tpu.enqueue_dma source(%dma_start3A_51 : memref<32x1024xf32, #tpu.memory_space<hbm>>) target(%dma_start3A_49 : memref<32x1024xf32, #tpu.memory_space<vmem_shared>>) target_semaphore(%arg11 : memref<!tpu.dma_semaphore, #tpu.memory_space<semaphore_mem>>)
    %dma_wait3A = arith.constant 0 : i32
    %dma_wait3A_52 = arith.constant 0 : i32
    %dma_wait3A_53 = arith.constant 0 : i32
    %dma_wait3A_54 = tpu.memref_slice %arg4[%dma_wait3A, %dma_wait3A_52, %dma_wait3A_53] : memref<2x32x1024xf32, #tpu.memory_space<vmem>> -> memref<1x32x1024xf32, #tpu.memory_space<vmem>>
    %dma_wait3A_55 = tpu.memref_squeeze %dma_wait3A_54 : memref<1x32x1024xf32, #tpu.memory_space<vmem>> -> memref<32x1024xf32, #tpu.memory_space<vmem>>
    %dma_wait3A_56 = arith.constant 0 : i32
    %dma_wait3A_57 = tpu.memref_slice %arg2[%add3A_6, %dma_wait3A_56] : memref<8192x1024xf32, #tpu.memory_space<hbm>> -> memref<32x1024xf32, #tpu.memory_space<hbm>>
    %dma_wait3A_58 = arith.constant 0 : i32
    %dma_wait3A_59 = arith.constant 0 : i32
    %dma_wait3A_60 = tpu.memref_slice %arg4[%dma_wait3A, %dma_wait3A_58, %dma_wait3A_59] : memref<2x32x1024xf32, #tpu.memory_space<vmem>> -> memref<1x32x1024xf32, #tpu.memory_space<vmem>>
    %dma_wait3A_61 = tpu.memref_squeeze %dma_wait3A_60 : memref<1x32x1024xf32, #tpu.memory_space<vmem>> -> memref<32x1024xf32, #tpu.memory_space<vmem>>
    %dma_wait3A_62 = arith.constant 0 : i32
    %dma_wait3A_63 = tpu.memref_slice %arg2[%add3A_6, %dma_wait3A_62] : memref<8192x1024xf32, #tpu.memory_space<hbm>> -> memref<32x1024xf32, #tpu.memory_space<hbm>>
    tpu.wait_dma2 semaphore(%arg6 : memref<!tpu.dma_semaphore, #tpu.memory_space<semaphore_mem>>) src(%dma_wait3A_63 : memref<32x1024xf32, #tpu.memory_space<hbm>>) dst(%dma_wait3A_61 : memref<32x1024xf32, #tpu.memory_space<vmem>>)
    %add3A_64 = arith.constant 0 : i32
    %add3A_65 = arith.addi %mul3A_2, %add3A_64 : i32
    %dma_start3A_66 = arith.constant 0 : i32
    %dma_start3A_67 = arith.constant 0 : i32
    %dma_start3A_68 = arith.constant 0 : i32
    %dma_start3A_69 = tpu.memref_slice %arg4[%dma_start3A_66, %dma_start3A_67, %dma_start3A_68] : memref<2x32x1024xf32, #tpu.memory_space<vmem>> -> memref<1x32x1024xf32, #tpu.memory_space<vmem>>
    %dma_start3A_70 = tpu.memref_squeeze %dma_start3A_69 : memref<1x32x1024xf32, #tpu.memory_space<vmem>> -> memref<32x1024xf32, #tpu.memory_space<vmem>>
    %dma_start3A_71 = arith.constant 0 : i32
    %dma_start3A_72 = tpu.memref_slice %arg3[%add3A_65, %dma_start3A_71] : memref<4096x1024xf32, #tpu.memory_space<hbm>> -> memref<32x1024xf32, #tpu.memory_space<hbm>>
    %dma_start3A_73 = arith.constant 0 : i32
    %dma_start3A_74 = tpu.memref_slice %arg3[%add3A_65, %dma_start3A_73] : memref<4096x1024xf32, #tpu.memory_space<hbm>> -> memref<32x1024xf32, #tpu.memory_space<hbm>>
    %dma_start3A_75 = arith.constant 0 : i32
    %dma_start3A_76 = arith.constant 0 : i32
    %dma_start3A_77 = tpu.memref_slice %arg4[%dma_start3A_66, %dma_start3A_75, %dma_start3A_76] : memref<2x32x1024xf32, #tpu.memory_space<vmem>> -> memref<1x32x1024xf32, #tpu.memory_space<vmem>>
    %dma_start3A_78 = tpu.memref_squeeze %dma_start3A_77 : memref<1x32x1024xf32, #tpu.memory_space<vmem>> -> memref<32x1024xf32, #tpu.memory_space<vmem>>
    tpu.enqueue_dma source(%dma_start3A_78 : memref<32x1024xf32, #tpu.memory_space<vmem>>) target(%dma_start3A_74 : memref<32x1024xf32, #tpu.memory_space<hbm>>) target_semaphore(%arg8 : memref<!tpu.dma_semaphore, #tpu.memory_space<semaphore_mem>>)
    %dma_wait3A_79 = arith.constant 0 : i32
    %dma_wait3A_80 = arith.constant 0 : i32
    %dma_wait3A_81 = arith.constant 0 : i32
    %dma_wait3A_82 = tpu.memref_slice %arg5[%arg1, %dma_wait3A_79, %dma_wait3A_80, %dma_wait3A_81] : memref<16x2x32x1024xf32, #tpu.memory_space<vmem_shared>> -> memref<1x1x32x1024xf32, #tpu.memory_space<vmem_shared>>
    %dma_wait3A_83 = tpu.memref_squeeze %dma_wait3A_82 : memref<1x1x32x1024xf32, #tpu.memory_space<vmem_shared>> -> memref<32x1024xf32, #tpu.memory_space<vmem_shared>>
    %dma_wait3A_84 = arith.constant 0 : i32
    %dma_wait3A_85 = tpu.memref_slice %arg2[%add3A_20, %dma_wait3A_84] : memref<8192x1024xf32, #tpu.memory_space<hbm>> -> memref<32x1024xf32, #tpu.memory_space<hbm>>
    tpu.wait_dma2 semaphore(%arg10 : memref<!tpu.dma_semaphore, #tpu.memory_space<semaphore_mem>>) src(%dma_wait3A_85 : memref<32x1024xf32, #tpu.memory_space<hbm>>) dst(%dma_wait3A_83 : memref<32x1024xf32, #tpu.memory_space<vmem_shared>>)
    %add3A_86 = arith.constant 0 : i32
    %add3A_87 = arith.addi %add3A_4, %add3A_86 : i32
    %dma_start3A_88 = arith.constant 0 : i32
    %dma_start3A_89 = arith.constant 0 : i32
    %dma_start3A_90 = tpu.memref_slice %arg3[%add3A_87, %dma_start3A_89] : memref<4096x1024xf32, #tpu.memory_space<hbm>> -> memref<32x1024xf32, #tpu.memory_space<hbm>>
    %dma_start3A_91 = arith.constant 0 : i32
    %dma_start3A_92 = arith.constant 0 : i32
    %dma_start3A_93 = tpu.memref_slice %arg5[%arg1, %dma_start3A_88, %dma_start3A_91, %dma_start3A_92] : memref<16x2x32x1024xf32, #tpu.memory_space<vmem_shared>> -> memref<1x1x32x1024xf32, #tpu.memory_space<vmem_shared>>
    %dma_start3A_94 = tpu.memref_squeeze %dma_start3A_93 : memref<1x1x32x1024xf32, #tpu.memory_space<vmem_shared>> -> memref<32x1024xf32, #tpu.memory_space<vmem_shared>>
    tpu.enqueue_dma source(%dma_start3A_94 : memref<32x1024xf32, #tpu.memory_space<vmem_shared>>) target(%dma_start3A_90 : memref<32x1024xf32, #tpu.memory_space<hbm>>) target_semaphore(%arg12 : memref<!tpu.dma_semaphore, #tpu.memory_space<semaphore_mem>>)
    %dma_wait3A_95 = arith.constant 1 : i32
    %dma_wait3A_96 = arith.constant 0 : i32
    %dma_wait3A_97 = arith.constant 0 : i32
    %dma_wait3A_98 = tpu.memref_slice %arg4[%dma_wait3A_95, %dma_wait3A_96, %dma_wait3A_97] : memref<2x32x1024xf32, #tpu.memory_space<vmem>> -> memref<1x32x1024xf32, #tpu.memory_space<vmem>>
    %dma_wait3A_99 = tpu.memref_squeeze %dma_wait3A_98 : memref<1x32x1024xf32, #tpu.memory_space<vmem>> -> memref<32x1024xf32, #tpu.memory_space<vmem>>
    %dma_wait3A_100 = arith.constant 0 : i32
    %dma_wait3A_101 = tpu.memref_slice %arg2[%add3A_29, %dma_wait3A_100] : memref<8192x1024xf32, #tpu.memory_space<hbm>> -> memref<32x1024xf32, #tpu.memory_space<hbm>>
    %dma_wait3A_102 = arith.constant 0 : i32
    %dma_wait3A_103 = arith.constant 0 : i32
    %dma_wait3A_104 = tpu.memref_slice %arg4[%dma_wait3A_95, %dma_wait3A_102, %dma_wait3A_103] : memref<2x32x1024xf32, #tpu.memory_space<vmem>> -> memref<1x32x1024xf32, #tpu.memory_space<vmem>>
    %dma_wait3A_105 = tpu.memref_squeeze %dma_wait3A_104 : memref<1x32x1024xf32, #tpu.memory_space<vmem>> -> memref<32x1024xf32, #tpu.memory_space<vmem>>
    %dma_wait3A_106 = arith.constant 0 : i32
    %dma_wait3A_107 = tpu.memref_slice %arg2[%add3A_29, %dma_wait3A_106] : memref<8192x1024xf32, #tpu.memory_space<hbm>> -> memref<32x1024xf32, #tpu.memory_space<hbm>>
    tpu.wait_dma2 semaphore(%arg7 : memref<!tpu.dma_semaphore, #tpu.memory_space<semaphore_mem>>) src(%dma_wait3A_107 : memref<32x1024xf32, #tpu.memory_space<hbm>>) dst(%dma_wait3A_105 : memref<32x1024xf32, #tpu.memory_space<vmem>>)
    %add3A_108 = arith.constant 32 : i32
    %add3A_109 = arith.addi %mul3A_2, %add3A_108 : i32
    %dma_start3A_110 = arith.constant 1 : i32
    %dma_start3A_111 = arith.constant 0 : i32
    %dma_start3A_112 = arith.constant 0 : i32
    %dma_start3A_113 = tpu.memref_slice %arg4[%dma_start3A_110, %dma_start3A_111, %dma_start3A_112] : memref<2x32x1024xf32, #tpu.memory_space<vmem>> -> memref<1x32x1024xf32, #tpu.memory_space<vmem>>
    %dma_start3A_114 = tpu.memref_squeeze %dma_start3A_113 : memref<1x32x1024xf32, #tpu.memory_space<vmem>> -> memref<32x1024xf32, #tpu.memory_space<vmem>>
    %dma_start3A_115 = arith.constant 0 : i32
    %dma_start3A_116 = tpu.memref_slice %arg3[%add3A_109, %dma_start3A_115] : memref<4096x1024xf32, #tpu.memory_space<hbm>> -> memref<32x1024xf32, #tpu.memory_space<hbm>>
    %dma_start3A_117 = arith.constant 0 : i32
    %dma_start3A_118 = tpu.memref_slice %arg3[%add3A_109, %dma_start3A_117] : memref<4096x1024xf32, #tpu.memory_space<hbm>> -> memref<32x1024xf32, #tpu.memory_space<hbm>>
    %dma_start3A_119 = arith.constant 0 : i32
    %dma_start3A_120 = arith.constant 0 : i32
    %dma_start3A_121 = tpu.memref_slice %arg4[%dma_start3A_110, %dma_start3A_119, %dma_start3A_120] : memref<2x32x1024xf32, #tpu.memory_space<vmem>> -> memref<1x32x1024xf32, #tpu.memory_space<vmem>>
    %dma_start3A_122 = tpu.memref_squeeze %dma_start3A_121 : memref<1x32x1024xf32, #tpu.memory_space<vmem>> -> memref<32x1024xf32, #tpu.memory_space<vmem>>
    tpu.enqueue_dma source(%dma_start3A_122 : memref<32x1024xf32, #tpu.memory_space<vmem>>) target(%dma_start3A_118 : memref<32x1024xf32, #tpu.memory_space<hbm>>) target_semaphore(%arg9 : memref<!tpu.dma_semaphore, #tpu.memory_space<semaphore_mem>>)
    %dma_wait3A_123 = arith.constant 1 : i32
    %dma_wait3A_124 = arith.constant 0 : i32
    %dma_wait3A_125 = arith.constant 0 : i32
    %dma_wait3A_126 = tpu.memref_slice %arg5[%arg1, %dma_wait3A_123, %dma_wait3A_124, %dma_wait3A_125] : memref<16x2x32x1024xf32, #tpu.memory_space<vmem_shared>> -> memref<1x1x32x1024xf32, #tpu.memory_space<vmem_shared>>
    %dma_wait3A_127 = tpu.memref_squeeze %dma_wait3A_126 : memref<1x1x32x1024xf32, #tpu.memory_space<vmem_shared>> -> memref<32x1024xf32, #tpu.memory_space<vmem_shared>>
    %dma_wait3A_128 = arith.constant 0 : i32
    %dma_wait3A_129 = tpu.memref_slice %arg2[%add3A_44, %dma_wait3A_128] : memref<8192x1024xf32, #tpu.memory_space<hbm>> -> memref<32x1024xf32, #tpu.memory_space<hbm>>
    tpu.wait_dma2 semaphore(%arg11 : memref<!tpu.dma_semaphore, #tpu.memory_space<semaphore_mem>>) src(%dma_wait3A_129 : memref<32x1024xf32, #tpu.memory_space<hbm>>) dst(%dma_wait3A_127 : memref<32x1024xf32, #tpu.memory_space<vmem_shared>>)
    %add3A_130 = arith.constant 32 : i32
    %add3A_131 = arith.addi %add3A_4, %add3A_130 : i32
    %dma_start3A_132 = arith.constant 1 : i32
    %dma_start3A_133 = arith.constant 0 : i32
    %dma_start3A_134 = tpu.memref_slice %arg3[%add3A_131, %dma_start3A_133] : memref<4096x1024xf32, #tpu.memory_space<hbm>> -> memref<32x1024xf32, #tpu.memory_space<hbm>>
    %dma_start3A_135 = arith.constant 0 : i32
    %dma_start3A_136 = arith.constant 0 : i32
    %dma_start3A_137 = tpu.memref_slice %arg5[%arg1, %dma_start3A_132, %dma_start3A_135, %dma_start3A_136] : memref<16x2x32x1024xf32, #tpu.memory_space<vmem_shared>> -> memref<1x1x32x1024xf32, #tpu.memory_space<vmem_shared>>
    %dma_start3A_138 = tpu.memref_squeeze %dma_start3A_137 : memref<1x1x32x1024xf32, #tpu.memory_space<vmem_shared>> -> memref<32x1024xf32, #tpu.memory_space<vmem_shared>>
    tpu.enqueue_dma source(%dma_start3A_138 : memref<32x1024xf32, #tpu.memory_space<vmem_shared>>) target(%dma_start3A_134 : memref<32x1024xf32, #tpu.memory_space<hbm>>) target_semaphore(%arg13 : memref<!tpu.dma_semaphore, #tpu.memory_space<semaphore_mem>>)
    %dma_wait3A_139 = arith.constant 0 : i32
    %dma_wait3A_140 = arith.constant 0 : i32
    %dma_wait3A_141 = arith.constant 0 : i32
    %dma_wait3A_142 = tpu.memref_slice %arg4[%dma_wait3A_139, %dma_wait3A_140, %dma_wait3A_141] : memref<2x32x1024xf32, #tpu.memory_space<vmem>> -> memref<1x32x1024xf32, #tpu.memory_space<vmem>>
    %dma_wait3A_143 = tpu.memref_squeeze %dma_wait3A_142 : memref<1x32x1024xf32, #tpu.memory_space<vmem>> -> memref<32x1024xf32, #tpu.memory_space<vmem>>
    %dma_wait3A_144 = arith.constant 0 : i32
    %dma_wait3A_145 = tpu.memref_slice %arg3[%add3A_65, %dma_wait3A_144] : memref<4096x1024xf32, #tpu.memory_space<hbm>> -> memref<32x1024xf32, #tpu.memory_space<hbm>>
    %dma_wait3A_146 = arith.constant 0 : i32
    %dma_wait3A_147 = tpu.memref_slice %arg3[%add3A_65, %dma_wait3A_146] : memref<4096x1024xf32, #tpu.memory_space<hbm>> -> memref<32x1024xf32, #tpu.memory_space<hbm>>
    %dma_wait3A_148 = arith.constant 0 : i32
    %dma_wait3A_149 = arith.constant 0 : i32
    %dma_wait3A_150 = tpu.memref_slice %arg4[%dma_wait3A_139, %dma_wait3A_148, %dma_wait3A_149] : memref<2x32x1024xf32, #tpu.memory_space<vmem>> -> memref<1x32x1024xf32, #tpu.memory_space<vmem>>
    %dma_wait3A_151 = tpu.memref_squeeze %dma_wait3A_150 : memref<1x32x1024xf32, #tpu.memory_space<vmem>> -> memref<32x1024xf32, #tpu.memory_space<vmem>>
    tpu.wait_dma2 semaphore(%arg8 : memref<!tpu.dma_semaphore, #tpu.memory_space<semaphore_mem>>) src(%dma_wait3A_151 : memref<32x1024xf32, #tpu.memory_space<vmem>>) dst(%dma_wait3A_147 : memref<32x1024xf32, #tpu.memory_space<hbm>>)
    %dma_wait3A_152 = arith.constant 0 : i32
    %dma_wait3A_153 = arith.constant 0 : i32
    %dma_wait3A_154 = tpu.memref_slice %arg3[%add3A_87, %dma_wait3A_153] : memref<4096x1024xf32, #tpu.memory_space<hbm>> -> memref<32x1024xf32, #tpu.memory_space<hbm>>
    %dma_wait3A_155 = arith.constant 0 : i32
    %dma_wait3A_156 = arith.constant 0 : i32
    %dma_wait3A_157 = tpu.memref_slice %arg5[%arg1, %dma_wait3A_152, %dma_wait3A_155, %dma_wait3A_156] : memref<16x2x32x1024xf32, #tpu.memory_space<vmem_shared>> -> memref<1x1x32x1024xf32, #tpu.memory_space<vmem_shared>>
    %dma_wait3A_158 = tpu.memref_squeeze %dma_wait3A_157 : memref<1x1x32x1024xf32, #tpu.memory_space<vmem_shared>> -> memref<32x1024xf32, #tpu.memory_space<vmem_shared>>
    tpu.wait_dma2 semaphore(%arg12 : memref<!tpu.dma_semaphore, #tpu.memory_space<semaphore_mem>>) src(%dma_wait3A_158 : memref<32x1024xf32, #tpu.memory_space<vmem_shared>>) dst(%dma_wait3A_154 : memref<32x1024xf32, #tpu.memory_space<hbm>>)
    %dma_wait3A_159 = arith.constant 1 : i32
    %dma_wait3A_160 = arith.constant 0 : i32
    %dma_wait3A_161 = arith.constant 0 : i32
    %dma_wait3A_162 = tpu.memref_slice %arg4[%dma_wait3A_159, %dma_wait3A_160, %dma_wait3A_161] : memref<2x32x1024xf32, #tpu.memory_space<vmem>> -> memref<1x32x1024xf32, #tpu.memory_space<vmem>>
    %dma_wait3A_163 = tpu.memref_squeeze %dma_wait3A_162 : memref<1x32x1024xf32, #tpu.memory_space<vmem>> -> memref<32x1024xf32, #tpu.memory_space<vmem>>
    %dma_wait3A_164 = arith.constant 0 : i32
    %dma_wait3A_165 = tpu.memref_slice %arg3[%add3A_109, %dma_wait3A_164] : memref<4096x1024xf32, #tpu.memory_space<hbm>> -> memref<32x1024xf32, #tpu.memory_space<hbm>>
    %dma_wait3A_166 = arith.constant 0 : i32
    %dma_wait3A_167 = tpu.memref_slice %arg3[%add3A_109, %dma_wait3A_166] : memref<4096x1024xf32, #tpu.memory_space<hbm>> -> memref<32x1024xf32, #tpu.memory_space<hbm>>
    %dma_wait3A_168 = arith.constant 0 : i32
    %dma_wait3A_169 = arith.constant 0 : i32
    %dma_wait3A_170 = tpu.memref_slice %arg4[%dma_wait3A_159, %dma_wait3A_168, %dma_wait3A_169] : memref<2x32x1024xf32, #tpu.memory_space<vmem>> -> memref<1x32x1024xf32, #tpu.memory_space<vmem>>
    %dma_wait3A_171 = tpu.memref_squeeze %dma_wait3A_170 : memref<1x32x1024xf32, #tpu.memory_space<vmem>> -> memref<32x1024xf32, #tpu.memory_space<vmem>>
    tpu.wait_dma2 semaphore(%arg9 : memref<!tpu.dma_semaphore, #tpu.memory_space<semaphore_mem>>) src(%dma_wait3A_171 : memref<32x1024xf32, #tpu.memory_space<vmem>>) dst(%dma_wait3A_167 : memref<32x1024xf32, #tpu.memory_space<hbm>>)
    %dma_wait3A_172 = arith.constant 1 : i32
    %dma_wait3A_173 = arith.constant 0 : i32
    %dma_wait3A_174 = tpu.memref_slice %arg3[%add3A_131, %dma_wait3A_173] : memref<4096x1024xf32, #tpu.memory_space<hbm>> -> memref<32x1024xf32, #tpu.memory_space<hbm>>
    %dma_wait3A_175 = arith.constant 0 : i32
    %dma_wait3A_176 = arith.constant 0 : i32
    %dma_wait3A_177 = tpu.memref_slice %arg5[%arg1, %dma_wait3A_172, %dma_wait3A_175, %dma_wait3A_176] : memref<16x2x32x1024xf32, #tpu.memory_space<vmem_shared>> -> memref<1x1x32x1024xf32, #tpu.memory_space<vmem_shared>>
    %dma_wait3A_178 = tpu.memref_squeeze %dma_wait3A_177 : memref<1x1x32x1024xf32, #tpu.memory_space<vmem_shared>> -> memref<32x1024xf32, #tpu.memory_space<vmem_shared>>
    tpu.wait_dma2 semaphore(%arg13 : memref<!tpu.dma_semaphore, #tpu.memory_space<semaphore_mem>>) src(%dma_wait3A_178 : memref<32x1024xf32, #tpu.memory_space<vmem_shared>>) dst(%dma_wait3A_174 : memref<32x1024xf32, #tpu.memory_space<hbm>>)
    return
  }
}

</mosaic_0001>

<sc_bundles>
// kernel: kernel.3.cloned.1.call-start
scs
__scs_entry_jumppad:
0x0: {  	(pc) =	sbr.rel $0x88, $3  }
0x1: {  	(tag) =	ssettag $0x0;
	lr =	simm.s32 $0x1  }
0x2: {  	[smem:$0x3FA0] =	sst lr;
	_ =	strace $0xD0000000  }
0x3: {  	_ = 	snop  }
0x4: {  	_ = 	snop  }
0x5: {  	_ = 	snop  }
0x6: {  	_ = 	snop  }
0x7: {  	_ = 	snop  }
__scs_overlays_trampoline_lowered:
0x8: {  	[smem:$0x3FAF] =	sst s0  }
0x9: {  	[smem:$0x3FB0] =	sst s1  }
0xa: {  	[smem:$0x3FB1] =	sst s2  }
0xb: {  	[smem:$0x3FB2] =	sst s3  }
0xc: {  	[smem:$0x3FB3] =	sst s4  }
0xd: {  	[smem:$0x3FB4] =	sst s5  }
0xe: {  	[smem:$0x3FB5] =	sst s6  }
0xf: {  	[smem:$0x3FB6] =	sst s7  }
0x10: {  	[smem:$0x3FB7] =	sst s8  }
0x11: {  	[smem:$0x3FB8] =	sst s9;
	s0 =	simm.s32 @!p0 $0x0  }
0x12: {  	s1 =	sld [smem:$0x3F9E];
	s0 =	simm.s32 @p0 $0x1  }
0x13: {  	[smem:$0x3FB9] =	sst s0;
	s0 =	simm.s32 @!p1 $0x0  }
0x14: {  	s2 =	sld [smem:$0x3F9D];
	s0 =	simm.s32 @p1 $0x1  }
0x15: {  	[smem:$0x3FBA] =	sst s0;
	s0 =	simm.s32 @!p2 $0x0  }
0x16: {  	s3 =	sld [smem:$0x3FDB];
	s0 =	simm.s32 @p2 $0x1  }
0x17: {  	s4 =	simm.s32 $0x1BF5;
	[smem:$0x3FBC] =	sst s0  }
0x18: {  	s0 =	sld [smem:$0x3F9F];
	_ =	swait.ge [sflag:s4], $0x0  }
0x19: {  	s7 =	sld [smem:$0x3FA0]  }
0x1a: {  	s8 =	sadd.s32 $0xFFFFE003, lr  }
0x1b: {  	s9 =	sadd.s32 $0xFFFFFEF7, lr;
	s5 =	simm.s32 $0xFFFFFFFF;
	p2 =	slt.u32 s8, $0xFFFFF086  }
0x1c: {  	p1 =	slt.u32 s9, $0xF7A;
	s5 =	simm.s32 @!p2 $0x0  }
0x1d: {  	s5 =	simm.s32 @p1 $0x1;
	p0 =	seq.s32 s7, s2  }
0x1e: {  	s7 =	smul.u32 @!p0 $0xF7A, s2;
	p2 =	seq.s32 @!p0 s5, $0x0  }
0x1f: {  	s9 =	smul.u32 $0xF7A, s1;
	s8 =	simm.s32 @!p0 $0x1BF5;
	p2 =	por !p2, p0  }
0x20: {  	[sflag:s8] =	ssyncset.s32 @!p0 $0xFFFFF086;
	s6 =	sadd.s32 @!p0 s3, s7;
	s7 =	simm.s32 @!p0 $0x108  }
0x21: {  	s3 =	sadd.s32 s3, s9;
	s6 =	sadd.s32 @!p0 $0x88, s6;
	s7 =	simm.s32 @p2 $0x1082  }
0x22: {  	[simem:s7], [sflag:s8] =	dma.local @!p0 [hbm:s6], $0xF7A  }
0x23: {  	s9 =	sor.u32 $0xD0000000, s2;
	s6 =	simm.s32 $0x108;
	_ =	swait.ge @!p0 [sflag:s8], $0x0  }
0x24: {  	s3 =	sadd.s32 $0x88, s3;
	s6 =	simm.s32 @!p1 $0x1082;
	[sflag:s4] =	ssyncset.s32 $0xFFFFF086  }
0x25: {  	[simem:s6], [sflag:s4] =	dma.local [hbm:s3], $0xF7A  }
0x26: {  	[smem:$0x3FA0] =	sst s1;
	(tag) =	ssettag s2;
	_ =	strace s9  }
0x27: {  	s1 =	sld [smem:$0x3FB0]  }
0x28: {  	s2 =	sld [smem:$0x3FB1]  }
0x29: {  	s4 =	sld [smem:$0x3FB3]  }
0x2a: {  	p0 =	seq.s32 s5, $0x0;
	s5 =	sld [smem:$0x3FB4]  }
0x2b: {  	s6 =	sld [smem:$0x3FB5]  }
0x2c: {  	s7 =	sld [smem:$0x3FB6]  }
0x2d: {  	s3 =	simm.s32 $0x108;
	s8 =	sld [smem:$0x3FB7]  }
0x2e: {  	s3 =	simm.s32 @!p0 $0x1082;
	s9 =	sld [smem:$0x3FB8]  }
0x2f: {  	lr =	sadd.s32 s0, s3;
	s0 =	sld [smem:$0x3FAF]  }
0x30: {  	s3 =	sld [smem:$0x3FB2]  }
0x31: {  	[smem:$0x3FBB] =	sst s10  }
0x32: {  	s10 =	sld [smem:$0x3FB9];
	_ =	sdelay $0x3  }
0x33: {  	p0 =	seq.s32 s10, $0x1;
	s10 =	sld [smem:$0x3FBB];
	_ =	sdelay $0x3  }
0x34: {  	[smem:$0x3FBB] =	sst s10  }
0x35: {  	s10 =	sld [smem:$0x3FBA];
	_ =	sdelay $0x3  }
0x36: {  	p1 =	seq.s32 s10, $0x1;
	s10 =	sld [smem:$0x3FBB];
	_ =	sdelay $0x3  }
0x37: {  	[smem:$0x3FBB] =	sst s10  }
0x38: {  	s10 =	sld [smem:$0x3FBC]  }
0x39: {  	_ = 	snop;
	(pc) =	sbr.ind lr, $3  }
0x3a: {  	_ = 	snop  }
0x3b: {  	_ = 	snop  }
0x3c: {  	p2 =	seq.s32 s10, $0x1;
	s10 =	sld [smem:$0x3FBB]  }
0x3d: {  	_ =	shalt  }
0x3e: {  	_ =	shalt  }
0x3f: {  	_ =	shalt  }
0x40: {  	_ =	shalt  }
0x41: {  	_ =	shalt  }
0x42: {  	_ =	shalt  }
0x43: {  	_ =	shalt  }
0x44: {  	_ =	shalt  }
0x45: {  	_ =	shalt  }
0x46: {  	_ =	shalt  }
0x47: {  	_ =	shalt  }
0x48: {  	_ =	shalt  }
0x49: {  	_ =	shalt  }
0x4a: {  	_ =	shalt  }
0x4b: {  	_ =	shalt  }
0x4c: {  	_ =	shalt  }
0x4d: {  	_ =	shalt  }
0x4e: {  	_ =	shalt  }
0x4f: {  	_ =	shalt  }
0x50: {  	_ =	shalt  }
0x51: {  	_ =	shalt  }
0x52: {  	_ =	shalt  }
0x53: {  	_ =	shalt  }
0x54: {  	_ =	shalt  }
0x55: {  	_ =	shalt  }
0x56: {  	_ =	shalt  }
0x57: {  	_ =	shalt  }
0x58: {  	_ =	shalt  }
0x59: {  	_ =	shalt  }
0x5a: {  	_ =	shalt  }
0x5b: {  	_ =	shalt  }
0x5c: {  	_ =	shalt  }
0x5d: {  	_ =	shalt  }
0x5e: {  	_ =	shalt  }
0x5f: {  	_ =	shalt  }
0x60: {  	_ =	shalt  }
0x61: {  	_ =	shalt  }
0x62: {  	_ =	shalt  }
0x63: {  	_ =	shalt  }
0x64: {  	_ =	shalt  }
0x65: {  	_ =	shalt  }
0x66: {  	_ =	shalt  }
0x67: {  	_ =	shalt  }
0x68: {  	_ =	shalt  }
0x69: {  	_ =	shalt  }
0x6a: {  	_ =	shalt  }
0x6b: {  	_ =	shalt  }
0x6c: {  	_ =	shalt  }
0x6d: {  	_ =	shalt  }
0x6e: {  	_ =	shalt  }
0x6f: {  	_ =	shalt  }
0x70: {  	_ =	shalt  }
0x71: {  	_ =	shalt  }
0x72: {  	_ =	shalt  }
0x73: {  	_ =	shalt  }
0x74: {  	_ =	shalt  }
0x75: {  	_ =	shalt  }
0x76: {  	_ =	shalt  }
0x77: {  	_ =	shalt  }
0x78: {  	_ =	shalt  }
0x79: {  	_ =	shalt  }
0x7a: {  	_ =	shalt  }
0x7b: {  	_ =	shalt  }
0x7c: {  	_ =	shalt  }
0x7d: {  	_ =	shalt  }
0x7e: {  	_ =	shalt  }
0x7f: {  	_ =	shalt  }
0x80: {  	_ =	shalt  }
0x81: {  	_ =	shalt  }
0x82: {  	_ =	shalt  }
0x83: {  	_ =	shalt  }
0x84: {  	_ =	shalt  }
0x85: {  	_ =	shalt  }
0x86: {  	_ =	shalt  }
0x87: {  	_ =	shalt  }
.Lfunc_end0:
.L_simem_size_0:
called_computation_lowered:
.L_overlay_start_0:
0x88: {  	s2 =	sld [smem:$0x3FD9]  }
0x89: {  	s3 =	sld [smem:$0x3FFE];
	_ =	sdelay $0x1  }
0x8a: {  	s1 =	srdreg.scid  }
0x8b: {  	s0 =	sand.u32 $0x1, s1  }
0x8c: {  	s18 =	sshll.u32 s0, $0xA;
	s2 =	sadd.s32 s3, s2  }
0x8d: {  	s2 =	sadd.s32 s2, s18  }
0x8e: {  	[smem:$0x3FC7] =	sst s2  }
0x8f: {  	_ = 	snop  }
0x90: {  	s2 =	sld [smem:$0x3FC9]  }
0x91: {  	s19 =	sld [smem:$0x3FD0];
	(tm) =	ssettm $0x1  }
0x92: {  	s4 =	sld [smem:$0x3FFB];
	_ =	sdelay $0x3  }
0x93: {  	_ =	strace s4  }
0x94: {  	s4 =	sld [smem:$0x3FFC];
	_ =	sdelay $0x3  }
0x95: {  	_ =	strace s4  }
0x96: {  	s4 =	sld [smem:$0x3FFD];
	_ =	sdelay $0x3  }
0x97: {  	_ =	strace s4  }
0x98: {  	_ =	strace $0x8FFFFFFF  }
0x99: {  	s20 =	sld [smem:$0x3FDB];
	_ =	sdelay $0x1  }
0x9a: {  	s5 =	simm.s32 $_scs_section_size  }
0x9b: {  	s6 =	simm.s32 $_size__tile_overlayer_lowered;
	s7 =	simm.s32 $_tile_overlayer_lowered  }
0x9c: {  	s23 =	simm.s32 $0x1BFF;
	s22 =	sshll.u32 s7, $0x1;
	s4 =	sadd.s32 s5, s20  }
0x9d: {  	s8 =	simm.s32 $0x0;
	s21 =	sshll.u32 s6, $0x1;
	s6 =	sadd.s32 s22, s4  }
0x9e: {  	[timem:s8], [sflag:s23] =	dma.local [hbm:s6], s21  }
0x9f: {  	_ =	swait.ge [sflag:s23], s21  }
0xa0: {  	s5 =	ssub.s32 $0x0, s21;
	[sflag:s23] =	ssyncset.done $0x0  }
0xa1: {  	[sflag:s23] =	ssyncadd.s32 s5;
	_ =	sdelay $0x1  }
0xa2: {  	s24 =	simm.s32 $0x1B8B  }
0xa3: {  	_ =	swait.ge [sflag:s24], $0x1  }
0xa4: {  	[sflag:s24] =	ssyncset.done $0x0  }
0xa5: {  	s25 =	simm.s32 $0x1B8E;
	[sflag:s24] =	ssyncadd.s32 $0xFFFFFFFF  }
0xa6: {  	s26 =	simm.s32 $execute0_lowered;
	[smem:$0x3FD2] =	sst s25  }
0xa7: {  	s5 =	sshll.u32 s26, $0x1;
	_ =	strace $0x80000046;
	[dreg:$0x1] =	wrdreg $0xFFFFFFFF  }
0xa8: {  	s28 =	simm.s32 $_size_execute0_lowered;
	s4 =	sadd.s32 s4, s5;
	[dreg:$0x0] =	wrdreg $0x0  }
0xa9: {  	s5 =	sshll.u32 s28, $0x1;
	[dreg:$0x2] =	wrdreg s4  }
0xaa: {  	[dreg:$0x3] =	wrdreg s5  }
0xab: {  	[dreg:$0x4] =	wrdreg $0xC0  }
0xac: {  	_ =	task [dreg:s8], $0x5FFFF  }
0xad: {  	[dreg:$0x1] =	wrdreg $0xFFFFFFFF  }
0xae: {  	[dreg:$0x0] =	wrdreg $0x60  }
0xaf: {  	[dreg:$0x2] =	wrdreg s2  }
0xb0: {  	[dreg:$0x3] =	wrdreg s19  }
0xb1: {  	[dreg:$0x4] =	wrdreg $0x100000  }
0xb2: {  	[dreg:$0x5] =	wrdreg $0x9  }
0xb3: {  	_ =	task.clear_ibuf [dreg:s8], $0x6FFFF;
	_ =	strace $0x90000046  }
0xb4: {  	s29 =	simm.s32 $0x9;
	_ =	strace $0x80000048  }
0xb5: {  	_ =	swait.ge [sflag:s29], $0x1  }
0xb6: {  	[sflag:s29] =	ssyncadd.s32 $0xFFFFFFFF  }
0xb7: {  	_ =	strace $0x90000048  }
0xb8: {  	_ =	sfence  }
0xb9: {  	s30 =	sld [smem:$0x0];
	_ =	sdelay $0x2  }
0xba: {  	s31 =	sshll.u32 s1, $0xD;
	s1 =	sshrl.u32 s1, $0x2  }
0xbb: {  	s3 =	sand.u32 $0x4000, s31;
	s1 =	sadd.s32 s1, s30  }
0xbc: {  	s0 =	sor.u32 s3, s0;
	s1 =	sshll.u32 s1, $0x11  }
0xbd: {  	s0 =	sor.u32 s1, s0  }
0xbe: {  	s0 =	sadd.s32 $0x8F2B, s0  }
0xbf: {  	[sflag:s0] =	ssyncadd.remote.s32 $0x1  }
0xc0: {  	_ =	sfence.sel $0xFFFF  }
0xc1: {  	[dreg:$0x0] =	wrdreg $0xFFFFFFFF;
	(pc) =	sbr.abs _section_cstart, $3  }
0xc2: {  	[dreg:$0x1] =	wrdreg $0xFFFFFFFF  }
0xc3: {  	_ =	task.clear_ibuf [dreg:s8], $0x2FFFF;
	_ =	strace $0x9FFFFFFF  }
0xc4: {  	(tm) =	ssettm $0x7FFFFFFF  }
0xc5: {  	_ =	shalt  }
tec
execute0_lowered:
.L_overlay_start_1:
0x0: {  	(tag) =	ssettag $0x1  }
0x1: {  	s7 =	rddreg [dreg:$0x0]  }
0x2: {  	s20 =	rddreg [dreg:$0x1]  }
0x3: {  	s4 =	rddreg [dreg:$0x2];
	s2 =	srdreg.scid  }
0x4: {  	s0 =	rddreg [dreg:$0x3];
	s1 =	stileid.u32  }
0x5: {  	s9 =	simm.s32 $0x8000;
	s12 =	simm.s32 $0x1;
	s24 =	sand.u32 $0x1, s2  }
0x6: {  	s2 =	simm.s32 $0x0;
	s3 =	sshll.u32 s1, $0xF;
	s31 =	sshll.u32 s1, $0x10  }
0x7: {  	s21 =	sshll.u32 s1, $0x6;
	s5 =	sshll.u32 s24, $0xE;
	[smem:$0x7FF] =	sst s2  }
0x8: {  	s8 =	sadd.s32 s31, s4;
	s10 =	sor.u32 $0x1C06, s21;
	s13 =	sor.u32 s5, s3  }
0x9: {  	_ =	strace $0x80000047;
	s5 =	sor.u32 $0x1C05, s21;
	s11 =	sadd.s32 $0x8000, s8  }
0xa: {  	s8 =	sshrl.u32 s8, $0x3;
	s3 =	sadd.s32 s7, s13;
	s15 =	sor.u32 $0x2000, s13  }
0xb: {  	s18 =	sor.u32 $0x1000, s13;
	s22 =	sor.u32 $0x3000, s13;
	s11 =	sshrl.u32 s11, $0x3  }
0xc: {  	s4 =	sadd.s32 s7, s15;
	s6 =	sadd.s32 s7, s18;
	s7 =	sadd.s32 s7, s22  }
0xd: {  	[tilespmem:s2], [sflag:$0x1] =	stream.linear.gather [hbm4b:s3+s2], $0x8000, $0x38;
	v63 =	vld [tilespmem:$0x0]  }
0xe: {  	[spmem:s8], [sflag:s5] =	dma.local [hbm:s4], $0x1000  }
0xf: {  	[tilespmem:s9], [sflag:$0x2] =	stream.linear.gather [hbm4b:s6+s2], $0x8000, $0x38;
	v63 =	vld [tilespmem:$0x0]  }
0x10: {  	[spmem:s11], [sflag:s10] =	dma.local [hbm:s7], $0x1000  }
0x11: {  	_ =	swait.ge [sflag:s12], $0x8000  }
0x12: {  	[sflag:s12] =	ssyncset.done $0x0  }
0x13: {  	s14 =	simm.s32 $0x5;
	s13 =	sadd.s32 s20, s13;
	[sflag:s12] =	ssyncadd.s32 $0xFFFF8000  }
0x14: {  	[hbm4b:s13+s2] =	stream.linear.scatter [tilespmem:s2], [sflag:$0x3], $0x8000, $0x38;
	v63 =	vld [tilespmem:$0x0]  }
0x15: {  	_ =	swait.ge [sflag:s14], $0x1000  }
0x16: {  	s17 =	simm.s32 $0x2;
	[sflag:s14] =	ssyncset.done $0x0  }
0x17: {  	s16 =	sor.u32 $0x1C07, s21;
	s15 =	sadd.s32 s20, s15;
	[sflag:s14] =	ssyncadd.s32 $0xFFFFF000  }
0x18: {  	[hbm:s15], [sflag:s16] =	dma.local [spmem:s8], $0x1000  }
0x19: {  	_ =	swait.ge [sflag:s17], $0x8000  }
0x1a: {  	[sflag:s17] =	ssyncset.done $0x0  }
0x1b: {  	s19 =	simm.s32 $0x6;
	s18 =	sadd.s32 s20, s18;
	[sflag:s17] =	ssyncadd.s32 $0xFFFF8000  }
0x1c: {  	[hbm4b:s18+s2] =	stream.linear.scatter [tilespmem:s9], [sflag:$0x4], $0x8000, $0x38;
	v63 =	vld [tilespmem:$0x0]  }
0x1d: {  	_ =	swait.ge [sflag:s19], $0x1000  }
0x1e: {  	s21 =	sor.u32 $0x1C08, s21;
	[sflag:s19] =	ssyncset.done $0x0  }
0x1f: {  	s20 =	sadd.s32 s20, s22;
	s22 =	simm.s32 $0x3;
	[sflag:s19] =	ssyncadd.s32 $0xFFFFF000  }
0x20: {  	[hbm:s20], [sflag:s21] =	dma.local [spmem:s11], $0x1000  }
0x21: {  	_ =	swait.ge [sflag:s22], $0x8000  }
0x22: {  	s25 =	ssub.s32 $0x2, s24;
	[sflag:s22] =	ssyncset.done $0x0  }
0x23: {  	s23 =	simm.s32 $0x7;
	s26 =	sshrl.u32 s25, $0x1;
	[sflag:s22] =	ssyncadd.s32 $0xFFFF8000  }
0x24: {  	s25 =	ssub.s32 s25, s26;
	_ =	swait.ge [sflag:s23], $0x1000  }
0x25: {  	s26 =	smax.u32 s25, $0x1;
	[sflag:s23] =	ssyncset.done $0x0  }
0x26: {  	s24 =	simm.s32 $0x4;
	p0 =	sne.s32 s26, $0x1;
	[sflag:s23] =	ssyncadd.s32 $0xFFFFF000  }
.Ltmp0:
0x27: {  	_ =	swait.ge [sflag:s24], $0x8000;
	(pc) =	sbr.rel @!p0 .LBB2_2-.Ltmp0, $4  }
0x28: {  	[sflag:s24] =	ssyncset.done $0x0  }
0x29: {  	s25 =	simm.s32 $0x8;
	[sflag:s24] =	ssyncadd.s32 $0xFFFF8000  }
0x2a: {  	_ =	swait.ge [sflag:s25], $0x1000  }
0x2b: {  	s26 =	sadd.s32 $0xFFFFFFFF, s26;
	[sflag:s25] =	ssyncset.done $0x0  }
.LBB2_1:
0x2c: {  	p0 =	sne.s32 s26, $0x1;
	s26 =	sadd.s32 $0xFFFFFFFF, s26;
	[sflag:s25] =	ssyncadd.s32 $0xFFFFF000  }
0x2d: {  	[tilespmem:s2], [sflag:$0x1] =	stream.linear.gather [hbm4b:s3+s2], $0x8000, $0x38;
	v63 =	vld [tilespmem:$0x0]  }
0x2e: {  	[spmem:s8], [sflag:s5] =	dma.local [hbm:s4], $0x1000  }
0x2f: {  	[tilespmem:s9], [sflag:$0x2] =	stream.linear.gather [hbm4b:s6+s2], $0x8000, $0x38;
	v63 =	vld [tilespmem:$0x0]  }
0x30: {  	[spmem:s11], [sflag:s10] =	dma.local [hbm:s7], $0x1000  }
0x31: {  	_ =	swait.ge [sflag:s12], $0x8000  }
0x32: {  	[sflag:s12] =	ssyncset.done $0x0  }
0x33: {  	[sflag:s12] =	ssyncadd.s32 $0xFFFF8000  }
0x34: {  	[hbm4b:s13+s2] =	stream.linear.scatter [tilespmem:s2], [sflag:$0x3], $0x8000, $0x38;
	v63 =	vld [tilespmem:$0x0]  }
0x35: {  	_ =	swait.ge [sflag:s14], $0x1000  }
0x36: {  	[sflag:s14] =	ssyncset.done $0x0  }
0x37: {  	[sflag:s14] =	ssyncadd.s32 $0xFFFFF000  }
0x38: {  	[hbm:s15], [sflag:s16] =	dma.local [spmem:s8], $0x1000  }
0x39: {  	_ =	swait.ge [sflag:s17], $0x8000  }
0x3a: {  	[sflag:s17] =	ssyncset.done $0x0  }
0x3b: {  	[sflag:s17] =	ssyncadd.s32 $0xFFFF8000  }
0x3c: {  	[hbm4b:s18+s2] =	stream.linear.scatter [tilespmem:s9], [sflag:$0x4], $0x8000, $0x38;
	v63 =	vld [tilespmem:$0x0]  }
0x3d: {  	_ =	swait.ge [sflag:s19], $0x1000  }
0x3e: {  	[sflag:s19] =	ssyncset.done $0x0  }
0x3f: {  	[sflag:s19] =	ssyncadd.s32 $0xFFFFF000  }
0x40: {  	[hbm:s20], [sflag:s21] =	dma.local [spmem:s11], $0x1000  }
0x41: {  	_ =	swait.ge [sflag:s22], $0x8000  }
0x42: {  	[sflag:s22] =	ssyncset.done $0x0  }
0x43: {  	[sflag:s22] =	ssyncadd.s32 $0xFFFF8000  }
0x44: {  	_ =	swait.ge [sflag:s23], $0x1000  }
0x45: {  	[sflag:s23] =	ssyncset.done $0x0  }
0x46: {  	[sflag:s23] =	ssyncadd.s32 $0xFFFFF000  }
.Ltmp1:
0x47: {  	_ =	swait.ge [sflag:s24], $0x8000;
	(pc) =	sbr.rel @p0 .LBB2_1-.Ltmp1, $4  }
0x48: {  	[sflag:s24] =	ssyncset.done $0x0  }
0x49: {  	[sflag:s24] =	ssyncadd.s32 $0xFFFF8000  }
0x4a: {  	_ =	swait.ge [sflag:s25], $0x1000  }
0x4b: {  	[sflag:s25] =	ssyncset.done $0x0  }
.LBB2_2:
0x4c: {  	[sflag:s25] =	ssyncadd.s32 $0xFFFFF000  }
0x4d: {  	_ =	sfence.sel $0x180000  }
0x4e: {  	[bflag:$0x0] =	sbarrier.arrive $0xFFFF  }
0x4f: {  	p0 =	sne.s32 s1, $0x0;
	_ =	strace $0x90000047  }
0x50: {  	s0 =	sadd.s32 @!p0 $0x100000, s0;
	[bflag:$0x2] =	sbarrier.arrive $0xFFFF  }
0x51: {  	[sflag:s0] =	ssyncadd.tile.s32 @!p0 $0x1;
	_ =	shalt  }
.Lfunc_end2:
_tile_overlayer_lowered:
.L_overlay_start_2:
0x52: {  	(tag) =	ssettag $0x2  }
0x53: {  	s0 =	rddreg [dreg:$0x0];
	s2 =	stileid.u32  }
0x54: {  	s1 =	rddreg [dreg:$0x1];
	p0 =	sne.s32 s2, $0x0  }
0x55: {  	s3 =	rddreg [dreg:$0x2];
	[bflag:$0x3] =	sbarrier.arrive $0xFFFF;
	s2 =	simm.s32 @!p0 $0x1C09  }
0x56: {  	[timem:s3], [sflag:s2] =	dma.local @!p0 [hbm:s0], s1  }
0x57: {  	s0 =	simm.s32 @!p0 $0x9  }
0x58: {  	_ =	swait.ge @!p0 [sflag:s0], s1  }
0x59: {  	s1 =	ssub.s32 @!p0 $0x0, s1;
	[sflag:s0] =	ssyncset.done @!p0 $0x0  }
0x5a: {  	[sflag:s0] =	ssyncadd.s32 @!p0 s1  }
0x5b: {  	[bflag:$0x3] =	sbarrier.arrive $0xFFFF  }
0x5c: {  	_ =	shalt  }

</sc_bundles>
